<compile_context>
chip_gen: v7x
topology: tpu7x:2x2x1
jax: 0.10.2.dev20260603
libtpu: 0.0.44.dev20260713+nightly
codegen_flags: <defaults>
</compile_context>

<pallas_src>
import functools
import jax
import jax.numpy as jnp
from jax import lax
from jax.experimental import pallas as pl
from jax.experimental.pallas import tpu as pltpu, tpu_sc as plsc


def _tc_add(tok_ref, pos_ref, out_ref):
    out_ref[...] = tok_ref[...] + pos_ref[...]


def _sc_add(tok_hbm, pos_hbm, out_hbm, pos_v, tok_v, *, L, D, CH):
    NC = 2
    wid = lax.axis_index("s") * NC + lax.axis_index("c")
    rows_per_w = L // 32
    l_base = wid * rows_per_w
    n_chunks = rows_per_w // CH
    words = CH * D

    def chunk_body(ch, _):
        l0 = l_base + ch * CH
        off = l0 * D
        pltpu.sync_copy(pos_hbm.at[pl.ds(off, words)], pos_v)
        pltpu.sync_copy(tok_hbm.at[pl.ds(off, words)], tok_v)
        UNROLL = 16

        def add_body(i, _):
            base = i * (16 * UNROLL)
            for j in range(UNROLL):
                s = pl.ds(base + j * 16, 16)
                tok_v[s] = tok_v[s] + pos_v[s]
            return 0

        lax.fori_loop(0, words // (16 * UNROLL), add_body, 0)
        pltpu.sync_copy(tok_v, out_hbm.at[pl.ds(off, words)])
        return 0

    lax.fori_loop(0, n_chunks, chunk_body, 0)


def kernel(x, token_embed, pos_table):
    B, L, D = token_embed.shape
    B_TC = B - 1

    L_BLK = 512
    tc_out = pl.pallas_call(
        _tc_add,
        grid=(L // L_BLK,),
        in_specs=[
            pl.BlockSpec((B_TC, L_BLK, D), lambda i: (0, i, 0)),
            pl.BlockSpec((L_BLK, D), lambda i: (i, 0)),
        ],
        out_specs=pl.BlockSpec((B_TC, L_BLK, D), lambda i: (0, i, 0)),
        out_shape=jax.ShapeDtypeStruct((B_TC, L, D), token_embed.dtype),
    )(lax.slice_in_dim(token_embed, 0, B_TC, axis=0), pos_table)

    CH = 32
    mesh = plsc.VectorSubcoreMesh(core_axis_name="c", subcore_axis_name="s")
    sc_fn = pl.kernel(
        functools.partial(_sc_add, L=L, D=D, CH=CH),
        mesh=mesh,
        out_type=jax.ShapeDtypeStruct((L * D,), jnp.float32),
        scratch_types=[
            pltpu.VMEM((CH * D,), jnp.float32),
            pltpu.VMEM((CH * D,), jnp.float32),
        ],
    )
    sc_out = sc_fn(
        lax.slice_in_dim(token_embed, B_TC, B, axis=0).reshape(-1),
        pos_table.reshape(-1),
    )

    return jnp.concatenate([tc_out, sc_out.reshape(1, L, D)], axis=0)

# --- scband reference (transcript-rebuilt; emitter-appended) ---
"""Pipeline reference for scband-position-embedding-25701084299531 (READ-ONLY COPY).

The authoritative reference and input builder live on the scoring server;
editing this copy changes nothing except your own understanding.
"""

import jax, jax.numpy as jnp
import numpy as np

MAXLEN = 8192
EMBED_DIM = 768
BATCH = 4
SEQ = 8192

def setup_inputs(seed: int = 0) -> dict:
    key = jax.random.key(seed)
    k1, k2, k3 = jax.random.split(key, 3)
    x = jax.random.randint(k1, (BATCH, SEQ), 0, MAXLEN, dtype=jnp.int64)
    token_embed = jax.random.normal(k2, (BATCH, SEQ, EMBED_DIM), dtype=jnp.float32)
    # learned positional embedding table, sized per init_kwargs
    pos_table = jax.random.normal(k3, (MAXLEN, EMBED_DIM), dtype=jnp.float32) * 0.02
    return {"x": x, "token_embed": token_embed, "pos_table": pos_table}

def reference(x, token_embed, pos_table):
    # maxlen = tf.shape(x)[-1]
    maxlen = x.shape[-1]
    positions = jnp.arange(0, maxlen, 1)
    # embedding lookup: gather rows of pos_table by position index
    pos = jnp.take(pos_table, positions, axis=0)  # [L, D]
    # broadcast-add over batch
    return pos + token_embed

if __name__ == "__main__":
    import jax
    _d = setup_inputs()
    print(jax.jit(kernel)(*tuple(_d.values())))

</pallas_src>

<mosaic_0001>
#map = affine_map<(d0, d1) -> (0)>
module attributes {stable_mosaic.version = 14 : i64} {
  func.func @_sc_add(%arg0: i32, %arg1: i32, %arg2: memref<6291456xf32, #tpu.memory_space<hbm>>, %arg3: memref<6291456xf32, #tpu.memory_space<hbm>>, %arg4: memref<6291456xf32, #tpu.memory_space<hbm>>, %arg5: memref<24576xf32, #tpu.memory_space<vmem>>, %arg6: memref<24576xf32, #tpu.memory_space<vmem>>) attributes {dimension_semantics = [#tpu.dimension_semantics<core_parallel>, #tpu.dimension_semantics<subcore_parallel>], iteration_bounds = array<i64: 2, 16>, scalar_prefetch = 0 : i64, scratch_operands = 2 : i64, tpu.core_type = #tpu.core_type<sc_vector_subcore>, window_params = [{transform_indices = #map}, {transform_indices = #map}, {transform_indices = #map}]} {
    %mul3A = arith.constant 2 : i32
    %mul3A_0 = arith.muli %arg1, %mul3A : i32
    %add3A = arith.addi %mul3A_0, %arg0 : i32
    %mul3A_1 = arith.constant 256 : i32
    %mul3A_2 = arith.muli %add3A, %mul3A_1 : i32
    %scan3A = arith.constant 0 : i32
    %scan3A_3 = arith.constant 0 : i32
    %scan3A_4 = arith.constant 8 : i32
    %scan3A_5 = arith.addi %scan3A_3, %scan3A_4 : i32
    %scan3A_6 = arith.constant 1 : i32
    %scan3A_7 = scf.for %scan3A_9 = %scan3A_3 to %scan3A_5 step %scan3A_6 iter_args(%scan3A_10 = %scan3A) -> (i32)  : i32 {
      %mul3A_11 = arith.constant 32 : i32
      %mul3A_12 = arith.muli %scan3A_9, %mul3A_11 : i32
      %add3A_13 = arith.addi %mul3A_2, %mul3A_12 : i32
      %mul3A_14 = arith.constant 768 : i32
      %mul3A_15 = arith.muli %add3A_13, %mul3A_14 : i32
      "tpu.region"() ({
        %run_scoped3A = tpu.sem_alloc : memref<!tpu.dma_semaphore, #tpu.memory_space<semaphore_mem>>
        %dma_start3A = tpu.memref_slice %arg3[%mul3A_15] : memref<6291456xf32, #tpu.memory_space<hbm>> -> memref<24576xf32, #tpu.memory_space<hbm>>
        %dma_start3A_24 = tpu.memref_slice %arg3[%mul3A_15] : memref<6291456xf32, #tpu.memory_space<hbm>> -> memref<24576xf32, #tpu.memory_space<hbm>>
        tpu.enqueue_dma source(%dma_start3A_24 : memref<24576xf32, #tpu.memory_space<hbm>>) target(%arg5 : memref<24576xf32, #tpu.memory_space<vmem>>) target_semaphore(%run_scoped3A : memref<!tpu.dma_semaphore, #tpu.memory_space<semaphore_mem>>)
        %dma_wait3A = tpu.memref_slice %arg3[%mul3A_15] : memref<6291456xf32, #tpu.memory_space<hbm>> -> memref<24576xf32, #tpu.memory_space<hbm>>
        %dma_wait3A_25 = tpu.memref_slice %arg3[%mul3A_15] : memref<6291456xf32, #tpu.memory_space<hbm>> -> memref<24576xf32, #tpu.memory_space<hbm>>
        tpu.wait_dma2 semaphore(%run_scoped3A : memref<!tpu.dma_semaphore, #tpu.memory_space<semaphore_mem>>) src(%dma_wait3A_25 : memref<24576xf32, #tpu.memory_space<hbm>>) dst(%arg5 : memref<24576xf32, #tpu.memory_space<vmem>>)
        tpu.yield
      }) : () -> ()
      "tpu.region"() ({
        %run_scoped3A = tpu.sem_alloc : memref<!tpu.dma_semaphore, #tpu.memory_space<semaphore_mem>>
        %dma_start3A = tpu.memref_slice %arg2[%mul3A_15] : memref<6291456xf32, #tpu.memory_space<hbm>> -> memref<24576xf32, #tpu.memory_space<hbm>>
        %dma_start3A_24 = tpu.memref_slice %arg2[%mul3A_15] : memref<6291456xf32, #tpu.memory_space<hbm>> -> memref<24576xf32, #tpu.memory_space<hbm>>
        tpu.enqueue_dma source(%dma_start3A_24 : memref<24576xf32, #tpu.memory_space<hbm>>) target(%arg6 : memref<24576xf32, #tpu.memory_space<vmem>>) target_semaphore(%run_scoped3A : memref<!tpu.dma_semaphore, #tpu.memory_space<semaphore_mem>>)
        %dma_wait3A = tpu.memref_slice %arg2[%mul3A_15] : memref<6291456xf32, #tpu.memory_space<hbm>> -> memref<24576xf32, #tpu.memory_space<hbm>>
        %dma_wait3A_25 = tpu.memref_slice %arg2[%mul3A_15] : memref<6291456xf32, #tpu.memory_space<hbm>> -> memref<24576xf32, #tpu.memory_space<hbm>>
        tpu.wait_dma2 semaphore(%run_scoped3A : memref<!tpu.dma_semaphore, #tpu.memory_space<semaphore_mem>>) src(%dma_wait3A_25 : memref<24576xf32, #tpu.memory_space<hbm>>) dst(%arg6 : memref<24576xf32, #tpu.memory_space<vmem>>)
        tpu.yield
      }) : () -> ()
      %scan3A_16 = arith.constant 0 : i32
      %scan3A_17 = arith.constant 0 : i32
      %scan3A_18 = arith.constant 96 : i32
      %scan3A_19 = arith.addi %scan3A_17, %scan3A_18 : i32
      %scan3A_20 = arith.constant 1 : i32
      %scan3A_21 = scf.for %scan3A_24 = %scan3A_17 to %scan3A_19 step %scan3A_20 iter_args(%scan3A_25 = %scan3A_16) -> (i32)  : i32 {
        %mul3A_26 = arith.constant 256 : i32
        %mul3A_27 = arith.muli %scan3A_24, %mul3A_26 : i32
        %add3A_28 = arith.constant 0 : i32
        %add3A_29 = arith.addi %mul3A_27, %add3A_28 : i32
        %get3A = arith.index_cast %add3A_29 : i32 to index
        %get3A_30 = tpu.vector_load %arg6[%get3A] {strides = array<i32>} : memref<24576xf32, #tpu.memory_space<vmem>>, vector<16xf32>,
        %get3A_31 = vector.shape_cast %get3A_30 : vector<16xf32> to vector<16xf32>
        %get3A_32 = arith.index_cast %add3A_29 : i32 to index
        %get3A_33 = tpu.vector_load %arg5[%get3A_32] {strides = array<i32>} : memref<24576xf32, #tpu.memory_space<vmem>>, vector<16xf32>,
        %get3A_34 = vector.shape_cast %get3A_33 : vector<16xf32> to vector<16xf32>
        %add3A_35 = arith.addf %get3A_31, %get3A_34 : vector<16xf32>
        %swap3A = arith.index_cast %add3A_29 : i32 to index
        %swap3A_36 = tpu.vector_load %arg6[%swap3A] {strides = array<i32>} : memref<24576xf32, #tpu.memory_space<vmem>>, vector<16xf32>,
        %swap3A_37 = vector.shape_cast %swap3A_36 : vector<16xf32> to vector<16xf32>
        %swap3A_38 = vector.shape_cast %add3A_35 : vector<16xf32> to vector<16xf32>
        tpu.vector_store %arg6[%swap3A], %swap3A_38 {strides = array<i32>} : memref<24576xf32, #tpu.memory_space<vmem>>, vector<16xf32>,
        %add3A_39 = arith.constant 16 : i32
        %add3A_40 = arith.addi %mul3A_27, %add3A_39 : i32
        %get3A_41 = arith.index_cast %add3A_40 : i32 to index
        %get3A_42 = tpu.vector_load %arg6[%get3A_41] {strides = array<i32>} : memref<24576xf32, #tpu.memory_space<vmem>>, vector<16xf32>,
        %get3A_43 = vector.shape_cast %get3A_42 : vector<16xf32> to vector<16xf32>
        %get3A_44 = arith.index_cast %add3A_40 : i32 to index
        %get3A_45 = tpu.vector_load %arg5[%get3A_44] {strides = array<i32>} : memref<24576xf32, #tpu.memory_space<vmem>>, vector<16xf32>,
        %get3A_46 = vector.shape_cast %get3A_45 : vector<16xf32> to vector<16xf32>
        %add3A_47 = arith.addf %get3A_43, %get3A_46 : vector<16xf32>
        %swap3A_48 = arith.index_cast %add3A_40 : i32 to index
        %swap3A_49 = tpu.vector_load %arg6[%swap3A_48] {strides = array<i32>} : memref<24576xf32, #tpu.memory_space<vmem>>, vector<16xf32>,
        %swap3A_50 = vector.shape_cast %swap3A_49 : vector<16xf32> to vector<16xf32>
        %swap3A_51 = vector.shape_cast %add3A_47 : vector<16xf32> to vector<16xf32>
        tpu.vector_store %arg6[%swap3A_48], %swap3A_51 {strides = array<i32>} : memref<24576xf32, #tpu.memory_space<vmem>>, vector<16xf32>,
        %add3A_52 = arith.constant 32 : i32
        %add3A_53 = arith.addi %mul3A_27, %add3A_52 : i32
        %get3A_54 = arith.index_cast %add3A_53 : i32 to index
        %get3A_55 = tpu.vector_load %arg6[%get3A_54] {strides = array<i32>} : memref<24576xf32, #tpu.memory_space<vmem>>, vector<16xf32>,
        %get3A_56 = vector.shape_cast %get3A_55 : vector<16xf32> to vector<16xf32>
        %get3A_57 = arith.index_cast %add3A_53 : i32 to index
        %get3A_58 = tpu.vector_load %arg5[%get3A_57] {strides = array<i32>} : memref<24576xf32, #tpu.memory_space<vmem>>, vector<16xf32>,
        %get3A_59 = vector.shape_cast %get3A_58 : vector<16xf32> to vector<16xf32>
        %add3A_60 = arith.addf %get3A_56, %get3A_59 : vector<16xf32>
        %swap3A_61 = arith.index_cast %add3A_53 : i32 to index
        %swap3A_62 = tpu.vector_load %arg6[%swap3A_61] {strides = array<i32>} : memref<24576xf32, #tpu.memory_space<vmem>>, vector<16xf32>,
        %swap3A_63 = vector.shape_cast %swap3A_62 : vector<16xf32> to vector<16xf32>
        %swap3A_64 = vector.shape_cast %add3A_60 : vector<16xf32> to vector<16xf32>
        tpu.vector_store %arg6[%swap3A_61], %swap3A_64 {strides = array<i32>} : memref<24576xf32, #tpu.memory_space<vmem>>, vector<16xf32>,
        %add3A_65 = arith.constant 48 : i32
        %add3A_66 = arith.addi %mul3A_27, %add3A_65 : i32
        %get3A_67 = arith.index_cast %add3A_66 : i32 to index
        %get3A_68 = tpu.vector_load %arg6[%get3A_67] {strides = array<i32>} : memref<24576xf32, #tpu.memory_space<vmem>>, vector<16xf32>,
        %get3A_69 = vector.shape_cast %get3A_68 : vector<16xf32> to vector<16xf32>
        %get3A_70 = arith.index_cast %add3A_66 : i32 to index
        %get3A_71 = tpu.vector_load %arg5[%get3A_70] {strides = array<i32>} : memref<24576xf32, #tpu.memory_space<vmem>>, vector<16xf32>,
        %get3A_72 = vector.shape_cast %get3A_71 : vector<16xf32> to vector<16xf32>
        %add3A_73 = arith.addf %get3A_69, %get3A_72 : vector<16xf32>
        %swap3A_74 = arith.index_cast %add3A_66 : i32 to index
        %swap3A_75 = tpu.vector_load %arg6[%swap3A_74] {strides = array<i32>} : memref<24576xf32, #tpu.memory_space<vmem>>, vector<16xf32>,
        %swap3A_76 = vector.shape_cast %swap3A_75 : vector<16xf32> to vector<16xf32>
        %swap3A_77 = vector.shape_cast %add3A_73 : vector<16xf32> to vector<16xf32>
        tpu.vector_store %arg6[%swap3A_74], %swap3A_77 {strides = array<i32>} : memref<24576xf32, #tpu.memory_space<vmem>>, vector<16xf32>,
        %add3A_78 = arith.constant 64 : i32
        %add3A_79 = arith.addi %mul3A_27, %add3A_78 : i32
        %get3A_80 = arith.index_cast %add3A_79 : i32 to index
        %get3A_81 = tpu.vector_load %arg6[%get3A_80] {strides = array<i32>} : memref<24576xf32, #tpu.memory_space<vmem>>, vector<16xf32>,
        %get3A_82 = vector.shape_cast %get3A_81 : vector<16xf32> to vector<16xf32>
        %get3A_83 = arith.index_cast %add3A_79 : i32 to index
        %get3A_84 = tpu.vector_load %arg5[%get3A_83] {strides = array<i32>} : memref<24576xf32, #tpu.memory_space<vmem>>, vector<16xf32>,
        %get3A_85 = vector.shape_cast %get3A_84 : vector<16xf32> to vector<16xf32>
        %add3A_86 = arith.addf %get3A_82, %get3A_85 : vector<16xf32>
        %swap3A_87 = arith.index_cast %add3A_79 : i32 to index
        %swap3A_88 = tpu.vector_load %arg6[%swap3A_87] {strides = array<i32>} : memref<24576xf32, #tpu.memory_space<vmem>>, vector<16xf32>,
        %swap3A_89 = vector.shape_cast %swap3A_88 : vector<16xf32> to vector<16xf32>
        %swap3A_90 = vector.shape_cast %add3A_86 : vector<16xf32> to vector<16xf32>
        tpu.vector_store %arg6[%swap3A_87], %swap3A_90 {strides = array<i32>} : memref<24576xf32, #tpu.memory_space<vmem>>, vector<16xf32>,
        %add3A_91 = arith.constant 80 : i32
        %add3A_92 = arith.addi %mul3A_27, %add3A_91 : i32
        %get3A_93 = arith.index_cast %add3A_92 : i32 to index
        %get3A_94 = tpu.vector_load %arg6[%get3A_93] {strides = array<i32>} : memref<24576xf32, #tpu.memory_space<vmem>>, vector<16xf32>,
        %get3A_95 = vector.shape_cast %get3A_94 : vector<16xf32> to vector<16xf32>
        %get3A_96 = arith.index_cast %add3A_92 : i32 to index
        %get3A_97 = tpu.vector_load %arg5[%get3A_96] {strides = array<i32>} : memref<24576xf32, #tpu.memory_space<vmem>>, vector<16xf32>,
        %get3A_98 = vector.shape_cast %get3A_97 : vector<16xf32> to vector<16xf32>
        %add3A_99 = arith.addf %get3A_95, %get3A_98 : vector<16xf32>
        %swap3A_100 = arith.index_cast %add3A_92 : i32 to index
        %swap3A_101 = tpu.vector_load %arg6[%swap3A_100] {strides = array<i32>} : memref<24576xf32, #tpu.memory_space<vmem>>, vector<16xf32>,
        %swap3A_102 = vector.shape_cast %swap3A_101 : vector<16xf32> to vector<16xf32>
        %swap3A_103 = vector.shape_cast %add3A_99 : vector<16xf32> to vector<16xf32>
        tpu.vector_store %arg6[%swap3A_100], %swap3A_103 {strides = array<i32>} : memref<24576xf32, #tpu.memory_space<vmem>>, vector<16xf32>,
        %add3A_104 = arith.constant 96 : i32
        %add3A_105 = arith.addi %mul3A_27, %add3A_104 : i32
        %get3A_106 = arith.index_cast %add3A_105 : i32 to index
        %get3A_107 = tpu.vector_load %arg6[%get3A_106] {strides = array<i32>} : memref<24576xf32, #tpu.memory_space<vmem>>, vector<16xf32>,
        %get3A_108 = vector.shape_cast %get3A_107 : vector<16xf32> to vector<16xf32>
        %get3A_109 = arith.index_cast %add3A_105 : i32 to index
        %get3A_110 = tpu.vector_load %arg5[%get3A_109] {strides = array<i32>} : memref<24576xf32, #tpu.memory_space<vmem>>, vector<16xf32>,
        %get3A_111 = vector.shape_cast %get3A_110 : vector<16xf32> to vector<16xf32>
        %add3A_112 = arith.addf %get3A_108, %get3A_111 : vector<16xf32>
        %swap3A_113 = arith.index_cast %add3A_105 : i32 to index
        %swap3A_114 = tpu.vector_load %arg6[%swap3A_113] {strides = array<i32>} : memref<24576xf32, #tpu.memory_space<vmem>>, vector<16xf32>,
        %swap3A_115 = vector.shape_cast %swap3A_114 : vector<16xf32> to vector<16xf32>
        %swap3A_116 = vector.shape_cast %add3A_112 : vector<16xf32> to vector<16xf32>
        tpu.vector_store %arg6[%swap3A_113], %swap3A_116 {strides = array<i32>} : memref<24576xf32, #tpu.memory_space<vmem>>, vector<16xf32>,
        %add3A_117 = arith.constant 112 : i32
        %add3A_118 = arith.addi %mul3A_27, %add3A_117 : i32
        %get3A_119 = arith.index_cast %add3A_118 : i32 to index
        %get3A_120 = tpu.vector_load %arg6[%get3A_119] {strides = array<i32>} : memref<24576xf32, #tpu.memory_space<vmem>>, vector<16xf32>,
        %get3A_121 = vector.shape_cast %get3A_120 : vector<16xf32> to vector<16xf32>
        %get3A_122 = arith.index_cast %add3A_118 : i32 to index
        %get3A_123 = tpu.vector_load %arg5[%get3A_122] {strides = array<i32>} : memref<24576xf32, #tpu.memory_space<vmem>>, vector<16xf32>,
        %get3A_124 = vector.shape_cast %get3A_123 : vector<16xf32> to vector<16xf32>
        %add3A_125 = arith.addf %get3A_121, %get3A_124 : vector<16xf32>
        %swap3A_126 = arith.index_cast %add3A_118 : i32 to index
        %swap3A_127 = tpu.vector_load %arg6[%swap3A_126] {strides = array<i32>} : memref<24576xf32, #tpu.memory_space<vmem>>, vector<16xf32>,
        %swap3A_128 = vector.shape_cast %swap3A_127 : vector<16xf32> to vector<16xf32>
        %swap3A_129 = vector.shape_cast %add3A_125 : vector<16xf32> to vector<16xf32>
        tpu.vector_store %arg6[%swap3A_126], %swap3A_129 {strides = array<i32>} : memref<24576xf32, #tpu.memory_space<vmem>>, vector<16xf32>,
        %add3A_130 = arith.constant 128 : i32
        %add3A_131 = arith.addi %mul3A_27, %add3A_130 : i32
        %get3A_132 = arith.index_cast %add3A_131 : i32 to index
        %get3A_133 = tpu.vector_load %arg6[%get3A_132] {strides = array<i32>} : memref<24576xf32, #tpu.memory_space<vmem>>, vector<16xf32>,
        %get3A_134 = vector.shape_cast %get3A_133 : vector<16xf32> to vector<16xf32>
        %get3A_135 = arith.index_cast %add3A_131 : i32 to index
        %get3A_136 = tpu.vector_load %arg5[%get3A_135] {strides = array<i32>} : memref<24576xf32, #tpu.memory_space<vmem>>, vector<16xf32>,
        %get3A_137 = vector.shape_cast %get3A_136 : vector<16xf32> to vector<16xf32>
        %add3A_138 = arith.addf %get3A_134, %get3A_137 : vector<16xf32>
        %swap3A_139 = arith.index_cast %add3A_131 : i32 to index
        %swap3A_140 = tpu.vector_load %arg6[%swap3A_139] {strides = array<i32>} : memref<24576xf32, #tpu.memory_space<vmem>>, vector<16xf32>,
        %swap3A_141 = vector.shape_cast %swap3A_140 : vector<16xf32> to vector<16xf32>
        %swap3A_142 = vector.shape_cast %add3A_138 : vector<16xf32> to vector<16xf32>
        tpu.vector_store %arg6[%swap3A_139], %swap3A_142 {strides = array<i32>} : memref<24576xf32, #tpu.memory_space<vmem>>, vector<16xf32>,
        %add3A_143 = arith.constant 144 : i32
        %add3A_144 = arith.addi %mul3A_27, %add3A_143 : i32
        %get3A_145 = arith.index_cast %add3A_144 : i32 to index
        %get3A_146 = tpu.vector_load %arg6[%get3A_145] {strides = array<i32>} : memref<24576xf32, #tpu.memory_space<vmem>>, vector<16xf32>,
        %get3A_147 = vector.shape_cast %get3A_146 : vector<16xf32> to vector<16xf32>
        %get3A_148 = arith.index_cast %add3A_144 : i32 to index
        %get3A_149 = tpu.vector_load %arg5[%get3A_148] {strides = array<i32>} : memref<24576xf32, #tpu.memory_space<vmem>>, vector<16xf32>,
        %get3A_150 = vector.shape_cast %get3A_149 : vector<16xf32> to vector<16xf32>
        %add3A_151 = arith.addf %get3A_147, %get3A_150 : vector<16xf32>
        %swap3A_152 = arith.index_cast %add3A_144 : i32 to index
        %swap3A_153 = tpu.vector_load %arg6[%swap3A_152] {strides = array<i32>} : memref<24576xf32, #tpu.memory_space<vmem>>, vector<16xf32>,
        %swap3A_154 = vector.shape_cast %swap3A_153 : vector<16xf32> to vector<16xf32>
        %swap3A_155 = vector.shape_cast %add3A_151 : vector<16xf32> to vector<16xf32>
        tpu.vector_store %arg6[%swap3A_152], %swap3A_155 {strides = array<i32>} : memref<24576xf32, #tpu.memory_space<vmem>>, vector<16xf32>,
        %add3A_156 = arith.constant 160 : i32
        %add3A_157 = arith.addi %mul3A_27, %add3A_156 : i32
        %get3A_158 = arith.index_cast %add3A_157 : i32 to index
        %get3A_159 = tpu.vector_load %arg6[%get3A_158] {strides = array<i32>} : memref<24576xf32, #tpu.memory_space<vmem>>, vector<16xf32>,
        %get3A_160 = vector.shape_cast %get3A_159 : vector<16xf32> to vector<16xf32>
        %get3A_161 = arith.index_cast %add3A_157 : i32 to index
        %get3A_162 = tpu.vector_load %arg5[%get3A_161] {strides = array<i32>} : memref<24576xf32, #tpu.memory_space<vmem>>, vector<16xf32>,
        %get3A_163 = vector.shape_cast %get3A_162 : vector<16xf32> to vector<16xf32>
        %add3A_164 = arith.addf %get3A_160, %get3A_163 : vector<16xf32>
        %swap3A_165 = arith.index_cast %add3A_157 : i32 to index
        %swap3A_166 = tpu.vector_load %arg6[%swap3A_165] {strides = array<i32>} : memref<24576xf32, #tpu.memory_space<vmem>>, vector<16xf32>,
        %swap3A_167 = vector.shape_cast %swap3A_166 : vector<16xf32> to vector<16xf32>
        %swap3A_168 = vector.shape_cast %add3A_164 : vector<16xf32> to vector<16xf32>
        tpu.vector_store %arg6[%swap3A_165], %swap3A_168 {strides = array<i32>} : memref<24576xf32, #tpu.memory_space<vmem>>, vector<16xf32>,
        %add3A_169 = arith.constant 176 : i32
        %add3A_170 = arith.addi %mul3A_27, %add3A_169 : i32
        %get3A_171 = arith.index_cast %add3A_170 : i32 to index
        %get3A_172 = tpu.vector_load %arg6[%get3A_171] {strides = array<i32>} : memref<24576xf32, #tpu.memory_space<vmem>>, vector<16xf32>,
        %get3A_173 = vector.shape_cast %get3A_172 : vector<16xf32> to vector<16xf32>
        %get3A_174 = arith.index_cast %add3A_170 : i32 to index
        %get3A_175 = tpu.vector_load %arg5[%get3A_174] {strides = array<i32>} : memref<24576xf32, #tpu.memory_space<vmem>>, vector<16xf32>,
        %get3A_176 = vector.shape_cast %get3A_175 : vector<16xf32> to vector<16xf32>
        %add3A_177 = arith.addf %get3A_173, %get3A_176 : vector<16xf32>
        %swap3A_178 = arith.index_cast %add3A_170 : i32 to index
        %swap3A_179 = tpu.vector_load %arg6[%swap3A_178] {strides = array<i32>} : memref<24576xf32, #tpu.memory_space<vmem>>, vector<16xf32>,
        %swap3A_180 = vector.shape_cast %swap3A_179 : vector<16xf32> to vector<16xf32>
        %swap3A_181 = vector.shape_cast %add3A_177 : vector<16xf32> to vector<16xf32>
        tpu.vector_store %arg6[%swap3A_178], %swap3A_181 {strides = array<i32>} : memref<24576xf32, #tpu.memory_space<vmem>>, vector<16xf32>,
        %add3A_182 = arith.constant 192 : i32
        %add3A_183 = arith.addi %mul3A_27, %add3A_182 : i32
        %get3A_184 = arith.index_cast %add3A_183 : i32 to index
        %get3A_185 = tpu.vector_load %arg6[%get3A_184] {strides = array<i32>} : memref<24576xf32, #tpu.memory_space<vmem>>, vector<16xf32>,
        %get3A_186 = vector.shape_cast %get3A_185 : vector<16xf32> to vector<16xf32>
        %get3A_187 = arith.index_cast %add3A_183 : i32 to index
        %get3A_188 = tpu.vector_load %arg5[%get3A_187] {strides = array<i32>} : memref<24576xf32, #tpu.memory_space<vmem>>, vector<16xf32>,
        %get3A_189 = vector.shape_cast %get3A_188 : vector<16xf32> to vector<16xf32>
        %add3A_190 = arith.addf %get3A_186, %get3A_189 : vector<16xf32>
        %swap3A_191 = arith.index_cast %add3A_183 : i32 to index
        %swap3A_192 = tpu.vector_load %arg6[%swap3A_191] {strides = array<i32>} : memref<24576xf32, #tpu.memory_space<vmem>>, vector<16xf32>,
        %swap3A_193 = vector.shape_cast %swap3A_192 : vector<16xf32> to vector<16xf32>
        %swap3A_194 = vector.shape_cast %add3A_190 : vector<16xf32> to vector<16xf32>
        tpu.vector_store %arg6[%swap3A_191], %swap3A_194 {strides = array<i32>} : memref<24576xf32, #tpu.memory_space<vmem>>, vector<16xf32>,
        %add3A_195 = arith.constant 208 : i32
        %add3A_196 = arith.addi %mul3A_27, %add3A_195 : i32
        %get3A_197 = arith.index_cast %add3A_196 : i32 to index
        %get3A_198 = tpu.vector_load %arg6[%get3A_197] {strides = array<i32>} : memref<24576xf32, #tpu.memory_space<vmem>>, vector<16xf32>,
        %get3A_199 = vector.shape_cast %get3A_198 : vector<16xf32> to vector<16xf32>
        %get3A_200 = arith.index_cast %add3A_196 : i32 to index
        %get3A_201 = tpu.vector_load %arg5[%get3A_200] {strides = array<i32>} : memref<24576xf32, #tpu.memory_space<vmem>>, vector<16xf32>,
        %get3A_202 = vector.shape_cast %get3A_201 : vector<16xf32> to vector<16xf32>
        %add3A_203 = arith.addf %get3A_199, %get3A_202 : vector<16xf32>
        %swap3A_204 = arith.index_cast %add3A_196 : i32 to index
        %swap3A_205 = tpu.vector_load %arg6[%swap3A_204] {strides = array<i32>} : memref<24576xf32, #tpu.memory_space<vmem>>, vector<16xf32>,
        %swap3A_206 = vector.shape_cast %swap3A_205 : vector<16xf32> to vector<16xf32>
        %swap3A_207 = vector.shape_cast %add3A_203 : vector<16xf32> to vector<16xf32>
        tpu.vector_store %arg6[%swap3A_204], %swap3A_207 {strides = array<i32>} : memref<24576xf32, #tpu.memory_space<vmem>>, vector<16xf32>,
        %add3A_208 = arith.constant 224 : i32
        %add3A_209 = arith.addi %mul3A_27, %add3A_208 : i32
        %get3A_210 = arith.index_cast %add3A_209 : i32 to index
        %get3A_211 = tpu.vector_load %arg6[%get3A_210] {strides = array<i32>} : memref<24576xf32, #tpu.memory_space<vmem>>, vector<16xf32>,
        %get3A_212 = vector.shape_cast %get3A_211 : vector<16xf32> to vector<16xf32>
        %get3A_213 = arith.index_cast %add3A_209 : i32 to index
        %get3A_214 = tpu.vector_load %arg5[%get3A_213] {strides = array<i32>} : memref<24576xf32, #tpu.memory_space<vmem>>, vector<16xf32>,
        %get3A_215 = vector.shape_cast %get3A_214 : vector<16xf32> to vector<16xf32>
        %add3A_216 = arith.addf %get3A_212, %get3A_215 : vector<16xf32>
        %swap3A_217 = arith.index_cast %add3A_209 : i32 to index
        %swap3A_218 = tpu.vector_load %arg6[%swap3A_217] {strides = array<i32>} : memref<24576xf32, #tpu.memory_space<vmem>>, vector<16xf32>,
        %swap3A_219 = vector.shape_cast %swap3A_218 : vector<16xf32> to vector<16xf32>
        %swap3A_220 = vector.shape_cast %add3A_216 : vector<16xf32> to vector<16xf32>
        tpu.vector_store %arg6[%swap3A_217], %swap3A_220 {strides = array<i32>} : memref<24576xf32, #tpu.memory_space<vmem>>, vector<16xf32>,
        %add3A_221 = arith.constant 240 : i32
        %add3A_222 = arith.addi %mul3A_27, %add3A_221 : i32
        %get3A_223 = arith.index_cast %add3A_222 : i32 to index
        %get3A_224 = tpu.vector_load %arg6[%get3A_223] {strides = array<i32>} : memref<24576xf32, #tpu.memory_space<vmem>>, vector<16xf32>,
        %get3A_225 = vector.shape_cast %get3A_224 : vector<16xf32> to vector<16xf32>
        %get3A_226 = arith.index_cast %add3A_222 : i32 to index
        %get3A_227 = tpu.vector_load %arg5[%get3A_226] {strides = array<i32>} : memref<24576xf32, #tpu.memory_space<vmem>>, vector<16xf32>,
        %get3A_228 = vector.shape_cast %get3A_227 : vector<16xf32> to vector<16xf32>
        %add3A_229 = arith.addf %get3A_225, %get3A_228 : vector<16xf32>
        %swap3A_230 = arith.index_cast %add3A_222 : i32 to index
        %swap3A_231 = tpu.vector_load %arg6[%swap3A_230] {strides = array<i32>} : memref<24576xf32, #tpu.memory_space<vmem>>, vector<16xf32>,
        %swap3A_232 = vector.shape_cast %swap3A_231 : vector<16xf32> to vector<16xf32>
        %swap3A_233 = vector.shape_cast %add3A_229 : vector<16xf32> to vector<16xf32>
        tpu.vector_store %arg6[%swap3A_230], %swap3A_233 {strides = array<i32>} : memref<24576xf32, #tpu.memory_space<vmem>>, vector<16xf32>,
        %scan3A_234 = arith.constant 0 : i32
        scf.yield %scan3A_234 : i32
      }
      %scan3A_22 = arith.constant 96 : i32
      "tpu.region"() ({
        %run_scoped3A = tpu.sem_alloc : memref<!tpu.dma_semaphore, #tpu.memory_space<semaphore_mem>>
        %dma_start3A = tpu.memref_slice %arg4[%mul3A_15] : memref<6291456xf32, #tpu.memory_space<hbm>> -> memref<24576xf32, #tpu.memory_space<hbm>>
        %dma_start3A_24 = tpu.memref_slice %arg4[%mul3A_15] : memref<6291456xf32, #tpu.memory_space<hbm>> -> memref<24576xf32, #tpu.memory_space<hbm>>
        tpu.enqueue_dma source(%arg6 : memref<24576xf32, #tpu.memory_space<vmem>>) target(%dma_start3A_24 : memref<24576xf32, #tpu.memory_space<hbm>>) target_semaphore(%run_scoped3A : memref<!tpu.dma_semaphore, #tpu.memory_space<semaphore_mem>>)
        %dma_wait3A = tpu.memref_slice %arg4[%mul3A_15] : memref<6291456xf32, #tpu.memory_space<hbm>> -> memref<24576xf32, #tpu.memory_space<hbm>>
        %dma_wait3A_25 = tpu.memref_slice %arg4[%mul3A_15] : memref<6291456xf32, #tpu.memory_space<hbm>> -> memref<24576xf32, #tpu.memory_space<hbm>>
        tpu.wait_dma2 semaphore(%run_scoped3A : memref<!tpu.dma_semaphore, #tpu.memory_space<semaphore_mem>>) src(%arg6 : memref<24576xf32, #tpu.memory_space<vmem>>) dst(%dma_wait3A_25 : memref<24576xf32, #tpu.memory_space<hbm>>)
        tpu.yield
      }) : () -> ()
      %scan3A_23 = arith.constant 0 : i32
      scf.yield %scan3A_23 : i32
    }
    %scan3A_8 = arith.constant 8 : i32
    return
  }
}

module attributes {stable_mosaic.version = 14 : i64} {
  func.func @_tc_add(%arg0: i32, %arg1: memref<3x512x768xf32, #tpu.memory_space<vmem>>, %arg2: memref<512x768xf32, #tpu.memory_space<vmem>>, %arg3: memref<3x512x768xf32, #tpu.memory_space<vmem>>) attributes {dimension_semantics = [#tpu.dimension_semantics<arbitrary>], iteration_bounds = array<i64: 16>, scalar_prefetch = 0 : i64, scratch_operands = 0 : i64, tpu.core_type = #tpu.core_type<tc>, window_params = [{transform_indices = @transform_0, window_bounds = array<i64: 3, 512, 768>}, {transform_indices = @transform_1, window_bounds = array<i64: 512, 768>}, {transform_indices = @transform_2, window_bounds = array<i64: 3, 512, 768>}]} {
    %get3A = arith.constant 0 : index
    %get3A_0 = arith.constant 0 : index
    %get3A_1 = arith.constant 0 : index
    %get3A_2 = vector.load %arg1[%get3A, %get3A_0, %get3A_1] : memref<3x512x768xf32, #tpu.memory_space<vmem>>, vector<3x512x768xf32>
    %get3A_3 = arith.constant 0 : index
    %get3A_4 = arith.constant 0 : index
    %get3A_5 = vector.load %arg2[%get3A_3, %get3A_4] : memref<512x768xf32, #tpu.memory_space<vmem>>, vector<512x768xf32>
    %broadcast_in_dim3A = vector.shape_cast %get3A_5 : vector<512x768xf32> to vector<1x512x768xf32>
    %add3A = vector.broadcast %broadcast_in_dim3A : vector<1x512x768xf32> to vector<3x512x768xf32>
    %add3A_6 = arith.addf %get3A_2, %add3A : vector<3x512x768xf32>
    %swap3A = arith.constant 0 : index
    %swap3A_7 = arith.constant 0 : index
    %swap3A_8 = arith.constant 0 : index
    %swap3A_9 = vector.load %arg3[%swap3A, %swap3A_7, %swap3A_8] : memref<3x512x768xf32, #tpu.memory_space<vmem>>, vector<3x512x768xf32>
    tpu.vector_store %arg3[%swap3A, %swap3A_7, %swap3A_8], %add3A_6 {strides = array<i32>} : memref<3x512x768xf32, #tpu.memory_space<vmem>>, vector<3x512x768xf32>,
    return
  }
  func.func @transform_0(%arg0: i32) -> (i32, i32, i32) {
    %c0_i32 = arith.constant 0 : i32
    %c0_i32_0 = arith.constant 0 : i32
    %c0_i32_1 = arith.constant 0 : i32
    return %c0_i32, %arg0, %c0_i32_0 : i32, i32, i32
  }
  func.func @transform_1(%arg0: i32) -> (i32, i32) {
    %c0_i32 = arith.constant 0 : i32
    %c0_i32_0 = arith.constant 0 : i32
    return %arg0, %c0_i32 : i32, i32
  }
  func.func @transform_2(%arg0: i32) -> (i32, i32, i32) {
    %c0_i32 = arith.constant 0 : i32
    %c0_i32_0 = arith.constant 0 : i32
    %c0_i32_1 = arith.constant 0 : i32
    return %c0_i32, %arg0, %c0_i32_0 : i32, i32, i32
  }
}

</mosaic_0001>

<sc_bundles>
// kernel: kernel.4.cloned.1.call-start
scs
__scs_entry_jumppad:
0x0: {  	(pc) =	sbr.rel $0x88, $3  }
0x1: {  	(tag) =	ssettag $0x0;
	lr =	simm.s32 $0x1  }
0x2: {  	[smem:$0x3F9F] =	sst lr;
	_ =	strace $0xD0000000  }
0x3: {  	_ = 	snop  }
0x4: {  	_ = 	snop  }
0x5: {  	_ = 	snop  }
0x6: {  	_ = 	snop  }
0x7: {  	_ = 	snop  }
__scs_overlays_trampoline_lowered:
0x8: {  	[smem:$0x3FAE] =	sst s0  }
0x9: {  	[smem:$0x3FAF] =	sst s1  }
0xa: {  	[smem:$0x3FB0] =	sst s2  }
0xb: {  	[smem:$0x3FB1] =	sst s3  }
0xc: {  	[smem:$0x3FB2] =	sst s4  }
0xd: {  	[smem:$0x3FB3] =	sst s5  }
0xe: {  	[smem:$0x3FB4] =	sst s6  }
0xf: {  	[smem:$0x3FB5] =	sst s7  }
0x10: {  	[smem:$0x3FB6] =	sst s8  }
0x11: {  	[smem:$0x3FB7] =	sst s9;
	s0 =	simm.s32 @!p0 $0x0  }
0x12: {  	s1 =	sld [smem:$0x3F9D];
	s0 =	simm.s32 @p0 $0x1  }
0x13: {  	[smem:$0x3FB8] =	sst s0;
	s0 =	simm.s32 @!p1 $0x0  }
0x14: {  	s2 =	sld [smem:$0x3F9C];
	s0 =	simm.s32 @p1 $0x1  }
0x15: {  	[smem:$0x3FB9] =	sst s0;
	s0 =	simm.s32 @!p2 $0x0  }
0x16: {  	s3 =	sld [smem:$0x3FDB];
	s0 =	simm.s32 @p2 $0x1  }
0x17: {  	s4 =	simm.s32 $0x1BF5;
	[smem:$0x3FBB] =	sst s0  }
0x18: {  	s0 =	sld [smem:$0x3F9E];
	_ =	swait.ge [sflag:s4], $0x0  }
0x19: {  	s7 =	sld [smem:$0x3F9F]  }
0x1a: {  	s8 =	sadd.s32 $0xFFFFE003, lr  }
0x1b: {  	s9 =	sadd.s32 $0xFFFFFEF7, lr;
	s5 =	simm.s32 $0xFFFFFFFF;
	p2 =	slt.u32 s8, $0xFFFFF086  }
0x1c: {  	p1 =	slt.u32 s9, $0xF7A;
	s5 =	simm.s32 @!p2 $0x0  }
0x1d: {  	s5 =	simm.s32 @p1 $0x1;
	p0 =	seq.s32 s7, s2  }
0x1e: {  	s7 =	smul.u32 @!p0 $0xF7A, s2;
	p2 =	seq.s32 @!p0 s5, $0x0  }
0x1f: {  	s9 =	smul.u32 $0xF7A, s1;
	s8 =	simm.s32 @!p0 $0x1BF5;
	p2 =	por !p2, p0  }
0x20: {  	[sflag:s8] =	ssyncset.s32 @!p0 $0xFFFFF086;
	s6 =	sadd.s32 @!p0 s3, s7;
	s7 =	simm.s32 @!p0 $0x108  }
0x21: {  	s3 =	sadd.s32 s3, s9;
	s6 =	sadd.s32 @!p0 $0x88, s6;
	s7 =	simm.s32 @p2 $0x1082  }
0x22: {  	[simem:s7], [sflag:s8] =	dma.local @!p0 [hbm:s6], $0xF7A  }
0x23: {  	s9 =	sor.u32 $0xD0000000, s2;
	s6 =	simm.s32 $0x108;
	_ =	swait.ge @!p0 [sflag:s8], $0x0  }
0x24: {  	s3 =	sadd.s32 $0x88, s3;
	s6 =	simm.s32 @!p1 $0x1082;
	[sflag:s4] =	ssyncset.s32 $0xFFFFF086  }
0x25: {  	[simem:s6], [sflag:s4] =	dma.local [hbm:s3], $0xF7A  }
0x26: {  	[smem:$0x3F9F] =	sst s1;
	(tag) =	ssettag s2;
	_ =	strace s9  }
0x27: {  	s1 =	sld [smem:$0x3FAF]  }
0x28: {  	s2 =	sld [smem:$0x3FB0]  }
0x29: {  	s4 =	sld [smem:$0x3FB2]  }
0x2a: {  	p0 =	seq.s32 s5, $0x0;
	s5 =	sld [smem:$0x3FB3]  }
0x2b: {  	s6 =	sld [smem:$0x3FB4]  }
0x2c: {  	s7 =	sld [smem:$0x3FB5]  }
0x2d: {  	s3 =	simm.s32 $0x108;
	s8 =	sld [smem:$0x3FB6]  }
0x2e: {  	s3 =	simm.s32 @!p0 $0x1082;
	s9 =	sld [smem:$0x3FB7]  }
0x2f: {  	lr =	sadd.s32 s0, s3;
	s0 =	sld [smem:$0x3FAE]  }
0x30: {  	s3 =	sld [smem:$0x3FB1]  }
0x31: {  	[smem:$0x3FBA] =	sst s10  }
0x32: {  	s10 =	sld [smem:$0x3FB8];
	_ =	sdelay $0x3  }
0x33: {  	p0 =	seq.s32 s10, $0x1;
	s10 =	sld [smem:$0x3FBA];
	_ =	sdelay $0x3  }
0x34: {  	[smem:$0x3FBA] =	sst s10  }
0x35: {  	s10 =	sld [smem:$0x3FB9];
	_ =	sdelay $0x3  }
0x36: {  	p1 =	seq.s32 s10, $0x1;
	s10 =	sld [smem:$0x3FBA];
	_ =	sdelay $0x3  }
0x37: {  	[smem:$0x3FBA] =	sst s10  }
0x38: {  	s10 =	sld [smem:$0x3FBB]  }
0x39: {  	_ = 	snop;
	(pc) =	sbr.ind lr, $3  }
0x3a: {  	_ = 	snop  }
0x3b: {  	_ = 	snop  }
0x3c: {  	p2 =	seq.s32 s10, $0x1;
	s10 =	sld [smem:$0x3FBA]  }
0x3d: {  	_ =	shalt  }
0x3e: {  	_ =	shalt  }
0x3f: {  	_ =	shalt  }
0x40: {  	_ =	shalt  }
0x41: {  	_ =	shalt  }
0x42: {  	_ =	shalt  }
0x43: {  	_ =	shalt  }
0x44: {  	_ =	shalt  }
0x45: {  	_ =	shalt  }
0x46: {  	_ =	shalt  }
0x47: {  	_ =	shalt  }
0x48: {  	_ =	shalt  }
0x49: {  	_ =	shalt  }
0x4a: {  	_ =	shalt  }
0x4b: {  	_ =	shalt  }
0x4c: {  	_ =	shalt  }
0x4d: {  	_ =	shalt  }
0x4e: {  	_ =	shalt  }
0x4f: {  	_ =	shalt  }
0x50: {  	_ =	shalt  }
0x51: {  	_ =	shalt  }
0x52: {  	_ =	shalt  }
0x53: {  	_ =	shalt  }
0x54: {  	_ =	shalt  }
0x55: {  	_ =	shalt  }
0x56: {  	_ =	shalt  }
0x57: {  	_ =	shalt  }
0x58: {  	_ =	shalt  }
0x59: {  	_ =	shalt  }
0x5a: {  	_ =	shalt  }
0x5b: {  	_ =	shalt  }
0x5c: {  	_ =	shalt  }
0x5d: {  	_ =	shalt  }
0x5e: {  	_ =	shalt  }
0x5f: {  	_ =	shalt  }
0x60: {  	_ =	shalt  }
0x61: {  	_ =	shalt  }
0x62: {  	_ =	shalt  }
0x63: {  	_ =	shalt  }
0x64: {  	_ =	shalt  }
0x65: {  	_ =	shalt  }
0x66: {  	_ =	shalt  }
0x67: {  	_ =	shalt  }
0x68: {  	_ =	shalt  }
0x69: {  	_ =	shalt  }
0x6a: {  	_ =	shalt  }
0x6b: {  	_ =	shalt  }
0x6c: {  	_ =	shalt  }
0x6d: {  	_ =	shalt  }
0x6e: {  	_ =	shalt  }
0x6f: {  	_ =	shalt  }
0x70: {  	_ =	shalt  }
0x71: {  	_ =	shalt  }
0x72: {  	_ =	shalt  }
0x73: {  	_ =	shalt  }
0x74: {  	_ =	shalt  }
0x75: {  	_ =	shalt  }
0x76: {  	_ =	shalt  }
0x77: {  	_ =	shalt  }
0x78: {  	_ =	shalt  }
0x79: {  	_ =	shalt  }
0x7a: {  	_ =	shalt  }
0x7b: {  	_ =	shalt  }
0x7c: {  	_ =	shalt  }
0x7d: {  	_ =	shalt  }
0x7e: {  	_ =	shalt  }
0x7f: {  	_ =	shalt  }
0x80: {  	_ =	shalt  }
0x81: {  	_ =	shalt  }
0x82: {  	_ =	shalt  }
0x83: {  	_ =	shalt  }
0x84: {  	_ =	shalt  }
0x85: {  	_ =	shalt  }
0x86: {  	_ =	shalt  }
0x87: {  	_ =	shalt  }
.Lfunc_end0:
.L_simem_size_0:
called_computation_lowered:
.L_overlay_start_0:
0x88: {  	s2 =	sld [smem:$0x3FD9]  }
0x89: {  	s3 =	sld [smem:$0x3FFE];
	_ =	sdelay $0x1  }
0x8a: {  	s1 =	srdreg.scid  }
0x8b: {  	s0 =	sand.u32 $0x1, s1  }
0x8c: {  	s16 =	sshll.u32 s0, $0xA;
	s2 =	sadd.s32 s3, s2  }
0x8d: {  	s2 =	sadd.s32 s2, s16  }
0x8e: {  	[smem:$0x3FC6] =	sst s2  }
0x8f: {  	_ = 	snop  }
0x90: {  	(tm) =	ssettm $0x1  }
0x91: {  	s17 =	sld [smem:$0x3FFB];
	_ =	sdelay $0x3  }
0x92: {  	_ =	strace s17  }
0x93: {  	s2 =	sld [smem:$0x3FFC];
	_ =	sdelay $0x3  }
0x94: {  	_ =	strace s2  }
0x95: {  	s2 =	sld [smem:$0x3FFD];
	_ =	sdelay $0x3  }
0x96: {  	_ =	strace s2  }
0x97: {  	_ =	strace $0x8FFFFFFF  }
0x98: {  	s18 =	sld [smem:$0x3FDB];
	_ =	sdelay $0x1  }
0x99: {  	s19 =	simm.s32 $_scs_section_size  }
0x9a: {  	s4 =	simm.s32 $_size__tile_overlayer_lowered;
	s5 =	simm.s32 $_tile_overlayer_lowered  }
0x9b: {  	s22 =	simm.s32 $0x1BFF;
	s21 =	sshll.u32 s5, $0x1;
	s2 =	sadd.s32 s19, s18  }
0x9c: {  	s6 =	simm.s32 $0x0;
	s20 =	sshll.u32 s4, $0x1;
	s4 =	sadd.s32 s21, s2  }
0x9d: {  	[timem:s6], [sflag:s22] =	dma.local [hbm:s4], s20  }
0x9e: {  	_ =	swait.ge [sflag:s22], s20  }
0x9f: {  	s3 =	ssub.s32 $0x0, s20;
	[sflag:s22] =	ssyncset.done $0x0  }
0xa0: {  	[sflag:s22] =	ssyncadd.s32 s3;
	_ =	sdelay $0x1  }
0xa1: {  	s23 =	simm.s32 $0x1B8B  }
0xa2: {  	_ =	swait.ge [sflag:s23], $0x1  }
0xa3: {  	[sflag:s23] =	ssyncset.done $0x0  }
0xa4: {  	s25 =	simm.s32 $0x1B8E;
	s24 =	sld [smem:$0x3FFE];
	[sflag:s23] =	ssyncadd.s32 $0xFFFFFFFF  }
0xa5: {  	s26 =	simm.s32 $execute0_lowered;
	[smem:$0x3FD2] =	sst s25  }
0xa6: {  	s4 =	sshll.u32 s26, $0x1;
	_ =	strace $0x80000046;
	[dreg:$0x1] =	wrdreg $0xFFFFFFFF  }
0xa7: {  	s28 =	simm.s32 $_size_execute0_lowered;
	s2 =	sadd.s32 s2, s4;
	[dreg:$0x0] =	wrdreg $0x0  }
0xa8: {  	s4 =	sshll.u32 s28, $0x1;
	[dreg:$0x2] =	wrdreg s2  }
0xa9: {  	[dreg:$0x3] =	wrdreg s4  }
0xaa: {  	[dreg:$0x4] =	wrdreg $0xC0  }
0xab: {  	_ =	task [dreg:s6], $0x5FFFF  }
0xac: {  	[dreg:$0x1] =	wrdreg $0xFFFFFFFF  }
0xad: {  	[dreg:$0x0] =	wrdreg $0x60  }
0xae: {  	[dreg:$0x2] =	wrdreg s24  }
0xaf: {  	[dreg:$0x3] =	wrdreg $0x9  }
0xb0: {  	_ =	task.clear_ibuf [dreg:s6], $0x4FFFF;
	_ =	strace $0x90000046  }
0xb1: {  	s29 =	simm.s32 $0x9;
	_ =	strace $0x80000048  }
0xb2: {  	_ =	swait.ge [sflag:s29], $0x1  }
0xb3: {  	[sflag:s29] =	ssyncadd.s32 $0xFFFFFFFF  }
0xb4: {  	_ =	strace $0x90000048  }
0xb5: {  	_ =	sfence  }
0xb6: {  	s30 =	sld [smem:$0x0];
	_ =	sdelay $0x2  }
0xb7: {  	s31 =	sshll.u32 s1, $0xD;
	s1 =	sshrl.u32 s1, $0x2  }
0xb8: {  	s3 =	sand.u32 $0x4000, s31;
	s1 =	sadd.s32 s1, s30  }
0xb9: {  	s0 =	sor.u32 s3, s0;
	s1 =	sshll.u32 s1, $0x11  }
0xba: {  	s0 =	sor.u32 s1, s0  }
0xbb: {  	s0 =	sadd.s32 $0x8F2B, s0  }
0xbc: {  	[sflag:s0] =	ssyncadd.remote.s32 $0x1  }
0xbd: {  	_ =	sfence.sel $0xFFFF  }
0xbe: {  	[dreg:$0x0] =	wrdreg $0xFFFFFFFF;
	(pc) =	sbr.abs _section_cstart, $3  }
0xbf: {  	[dreg:$0x1] =	wrdreg $0xFFFFFFFF  }
0xc0: {  	_ =	task.clear_ibuf [dreg:s6], $0x2FFFF;
	_ =	strace $0x9FFFFFFF  }
0xc1: {  	(tm) =	ssettm $0x7FFFFFFF  }
tec
execute0_lowered:
.L_overlay_start_1:
0x0: {  	(tag) =	ssettag $0x1  }
0x1: {  	s5 =	rddreg [dreg:$0x0]  }
0x2: {  	s0 =	rddreg [dreg:$0x1];
	s1 =	simm.s32 $0x0  }
0x3: {  	s2 =	srdreg.scid;
	s9 =	simm.s32 $0x6000;
	s10 =	simm.s32 $0x0  }
0x4: {  	[smem:$0x7FF] =	sst s1;
	s6 =	sand.u32 $0x1, s2;
	s3 =	sadd.s32 $0x400, s5  }
0x5: {  	s4 =	sadd.s32 $0xC0400, s5;
	s2 =	stileid.u32;
	s7 =	ssub.s32 $0x2, s6  }
0x6: {  	s5 =	sadd.s32 $0x180400, s5;
	_ =	strace $0x80000047;
	s8 =	sshrl.u32 s7, $0x1  }
0x7: {  	s31 =	sshll.u32 s2, $0x9;
	s6 =	sshll.u32 s6, $0x8;
	s7 =	ssub.s32 s7, s8  }
0x8: {  	s6 =	sor.u32 s6, s31;
	s8 =	simm.s32 $0x1;
	s7 =	smax.u32 s7, $0x1  }
.LBB2_1:
0x9: {  	s11 =	simm.s32 $0x0  }
.LBB2_2:
0xa: {  	s12 =	sshll.u32 s11, $0x5  }
0xb: {  	s12 =	sadd.s32 s6, s12  }
0xc: {  	s12 =	smul.u32 $0x60, s12;
	_ =	sdelay $0x1  }
0xd: {  	s14 =	simm.s32 $0x0;
	s13 =	sadd.s32 s4, s12  }
0xe: {  	[tilespmem:s14], [sflag:$0x1] =	stream.linear.gather [hbm4b:s13+s14], $0x6000, $0x38;
	[tilespmem:$0xC000] =	vst v63  }
0xf: {  	_ =	swait.ge [sflag:s8], $0x6000  }
0x10: {  	[sflag:s8] =	ssyncset.done $0x0  }
0x11: {  	s31 =	sadd.s32 s3, s12;
	[sflag:s8] =	ssyncadd.s32 $0xFFFFA000  }
0x12: {  	[tilespmem:s9], [sflag:$0x1] =	stream.linear.gather [hbm4b:s31+s14], $0x6000, $0x38;
	[tilespmem:$0xC000] =	vst v63  }
0x13: {  	_ =	swait.ge [sflag:s8], $0x6000  }
0x14: {  	[sflag:s8] =	ssyncset.done $0x0  }
0x15: {  	s13 =	simm.s32 $0x0;
	[sflag:s8] =	ssyncadd.s32 $0xFFFFA000  }
0x16: {  	v6 =	vld [tilespmem:s13+$0x0]  }
0x17: {  	v7 =	vld [tilespmem:s13+$0x10]  }
0x18: {  	v8 =	vld [tilespmem:s13+$0x20]  }
0x19: {  	v9 =	vld [tilespmem:s13+$0x30]  }
0x1a: {  	v10 =	vld [tilespmem:s13+$0x40]  }
0x1b: {  	v11 =	vld [tilespmem:s13+$0x50]  }
0x1c: {  	v12 =	vld [tilespmem:s13+$0x60]  }
0x1d: {  	v13 =	vld [tilespmem:s13+$0x70]  }
0x1e: {  	v14 =	vld [tilespmem:s13+$0x80]  }
0x1f: {  	v15 =	vld [tilespmem:s13+$0x90]  }
0x20: {  	v5 =	vld [tilespmem:s13+$0xA0]  }
0x21: {  	v4 =	vld [tilespmem:s13+$0xB0]  }
0x22: {  	v3 =	vld [tilespmem:s13+$0xC0]  }
0x23: {  	v2 =	vld [tilespmem:s13+$0xD0]  }
0x24: {  	v1 =	vld [tilespmem:s13+$0xE0]  }
0x25: {  	v0 =	vld [tilespmem:s13+$0xF0]  }
0x26: {  	v16 =	vld [tilespmem:s13+$0x6000]  }
0x27: {  	v17 =	vld [tilespmem:s13+$0x6010]  }
0x28: {  	v18 =	vld [tilespmem:s13+$0x6020]  }
0x29: {  	v19 =	vld [tilespmem:s13+$0x6030]  }
0x2a: {  	v20 =	vld [tilespmem:s13+$0x6040]  }
0x2b: {  	v60 =	vld [tilespmem:s13+$0x6050];
	v6 =	vadd.f32 v6, v16  }
0x2c: {  	v21 =	vld [tilespmem:s13+$0x6060];
	v7 =	vadd.f32 v7, v17  }
0x2d: {  	v61 =	vld [tilespmem:s13+$0x6070];
	[tilespmem:s13+$0x6000] =	vst v6;
	v6 =	vadd.f32 v8, v18  }
0x2e: {  	v62 =	vld [tilespmem:s13+$0x6080];
	[tilespmem:s13+$0x6010] =	vst v7;
	v7 =	vadd.f32 v9, v19  }
0x2f: {  	v63 =	vld [tilespmem:s13+$0x6090];
	[tilespmem:s13+$0x6020] =	vst v6;
	v6 =	vadd.f32 v10, v20  }
0x30: {  	v8 =	vadd.f32 v11, v60;
	[tilespmem:s13+$0x6030] =	vst v7;
	v7 =	vld [tilespmem:s13+$0x60A0]  }
0x31: {  	v9 =	vadd.f32 v12, v21;
	[tilespmem:s13+$0x6040] =	vst v6;
	v6 =	vld [tilespmem:s13+$0x60B0]  }
0x32: {  	[tilespmem:s13+$0x6050] =	vst v8;
	v8 =	vld [tilespmem:s13+$0x60C0];
	v10 =	vadd.f32 v13, v61  }
0x33: {  	v12 =	vadd.f32 v14, v62;
	[tilespmem:s13+$0x6060] =	vst v9;
	v9 =	vld [tilespmem:s13+$0x60D0]  }
0x34: {  	s14 =	simm.s32 $0x400;
	v11 =	vadd.f32 v15, v63;
	[tilespmem:s13+$0x6070] =	vst v10;
	v10 =	vld [tilespmem:s13+$0x60E0]  }
.LBB2_3:
0x35: {  	s15 =	sshra.s32 s14, $0x2;
	p0 =	sne.s32 s14, $0x17C00;
	[tilespmem:s13+$0x6080] =	vst v12;
	v5 =	vadd.f32 v5, v7;
	v7 =	vld [tilespmem:s13+$0x60F0]  }
0x36: {  	v12 =	vld [tilespmem:s15+$0x0];
	[tilespmem:s13+$0x6090] =	vst v11;
	v4 =	vadd.f32 v4, v6  }
0x37: {  	v6 =	vld [tilespmem:s15+$0x10];
	[tilespmem:s13+$0x60A0] =	vst v5;
	v3 =	vadd.f32 v3, v8  }
0x38: {  	v8 =	vld [tilespmem:s15+$0x20];
	[tilespmem:s13+$0x60B0] =	vst v4;
	v2 =	vadd.f32 v2, v9  }
0x39: {  	v9 =	vld [tilespmem:s15+$0x30];
	[tilespmem:s13+$0x60C0] =	vst v3;
	v1 =	vadd.f32 v1, v10  }
0x3a: {  	v10 =	vld [tilespmem:s15+$0x40];
	[tilespmem:s13+$0x60D0] =	vst v2;
	v0 =	vadd.f32 v0, v7  }
0x3b: {  	v7 =	vld [tilespmem:s15+$0x50];
	[tilespmem:s13+$0x60E0] =	vst v1  }
0x3c: {  	v11 =	vld [tilespmem:s15+$0x60];
	[tilespmem:s13+$0x60F0] =	vst v0;
	s13 =	smov.u32 s15  }
0x3d: {  	v13 =	vld [tilespmem:s13+$0x70]  }
0x3e: {  	v14 =	vld [tilespmem:s13+$0x80]  }
0x3f: {  	v15 =	vld [tilespmem:s13+$0x90]  }
0x40: {  	v5 =	vld [tilespmem:s13+$0xA0]  }
0x41: {  	v4 =	vld [tilespmem:s13+$0xB0]  }
0x42: {  	v3 =	vld [tilespmem:s13+$0xC0]  }
0x43: {  	v2 =	vld [tilespmem:s13+$0xD0]  }
0x44: {  	v1 =	vld [tilespmem:s13+$0xE0]  }
0x45: {  	v0 =	vld [tilespmem:s13+$0xF0]  }
0x46: {  	v16 =	vld [tilespmem:s13+$0x6000]  }
0x47: {  	v17 =	vld [tilespmem:s13+$0x6010]  }
0x48: {  	v18 =	vld [tilespmem:s13+$0x6020]  }
0x49: {  	v19 =	vld [tilespmem:s13+$0x6030]  }
0x4a: {  	v20 =	vld [tilespmem:s13+$0x6040]  }
0x4b: {  	v12 =	vadd.f32 v12, v16;
	v16 =	vld [tilespmem:s13+$0x6050]  }
0x4c: {  	v6 =	vadd.f32 v6, v17;
	v17 =	vld [tilespmem:s13+$0x6060]  }
0x4d: {  	[tilespmem:s13+$0x6000] =	vst v12;
	v8 =	vadd.f32 v8, v18;
	v12 =	vld [tilespmem:s13+$0x6070]  }
0x4e: {  	[tilespmem:s13+$0x6010] =	vst v6;
	v6 =	vadd.f32 v9, v19;
	v9 =	vld [tilespmem:s13+$0x6080]  }
0x4f: {  	[tilespmem:s13+$0x6020] =	vst v8;
	v8 =	vadd.f32 v10, v20;
	v10 =	vld [tilespmem:s13+$0x6090]  }
.Ltmp0:
0x50: {  	[tilespmem:s13+$0x6030] =	vst v6;
	v16 =	vadd.f32 v7, v16;
	v7 =	vld [tilespmem:s13+$0x60A0];
	(pc) =	sbr.rel @p0 .LBB2_3-.Ltmp0, $4  }
0x51: {  	[tilespmem:s13+$0x6040] =	vst v8;
	v11 =	vadd.f32 v11, v17;
	v6 =	vld [tilespmem:s13+$0x60B0]  }
0x52: {  	[tilespmem:s13+$0x6050] =	vst v16;
	v13 =	vadd.f32 v13, v12;
	v8 =	vld [tilespmem:s13+$0x60C0]  }
0x53: {  	[tilespmem:s13+$0x6060] =	vst v11;
	v12 =	vadd.f32 v14, v9;
	v9 =	vld [tilespmem:s13+$0x60D0]  }
0x54: {  	s14 =	sadd.s32 $0x400, s14;
	[tilespmem:s13+$0x6070] =	vst v13;
	v11 =	vadd.f32 v15, v10;
	v10 =	vld [tilespmem:s13+$0x60E0]  }
0x55: {  	[tilespmem:s13+$0x6080] =	vst v12;
	v5 =	vadd.f32 v5, v7;
	v63 =	vld [tilespmem:s13+$0x60F0]  }
0x56: {  	[tilespmem:s13+$0x6090] =	vst v11;
	v4 =	vadd.f32 v4, v6  }
0x57: {  	[tilespmem:s13+$0x60A0] =	vst v5;
	v3 =	vadd.f32 v3, v8  }
0x58: {  	[tilespmem:s13+$0x60B0] =	vst v4;
	v2 =	vadd.f32 v2, v9  }
0x59: {  	[tilespmem:s13+$0x60C0] =	vst v3;
	v1 =	vadd.f32 v1, v10  }
0x5a: {  	s11 =	sadd.s32 $0x1, s11;
	[tilespmem:s13+$0x60D0] =	vst v2;
	v0 =	vadd.f32 v0, v63  }
0x5b: {  	p0 =	sne.s32 s11, $0x8;
	[tilespmem:s13+$0x60E0] =	vst v1  }
.Ltmp1:
0x5c: {  	s12 =	sadd.s32 s5, s12;
	[tilespmem:s13+$0x60F0] =	vst v0;
	(pc) =	sbr.rel @p0 .LBB2_2-.Ltmp1, $4  }
0x5d: {  	[hbm4b:s12+s1] =	stream.linear.scatter [tilespmem:s9], [sflag:$0x1], $0x6000, $0x38;
	[tilespmem:$0xC000] =	vst v63  }
0x5e: {  	_ =	swait.ge [sflag:s8], $0x6000  }
0x5f: {  	[sflag:s8] =	ssyncset.done $0x0  }
0x60: {  	[sflag:s8] =	ssyncadd.s32 $0xFFFFA000  }
0x61: {  	s10 =	sadd.s32 $0x1, s10  }
0x62: {  	p0 =	sne.s32 s10, s7  }
.Ltmp2:
0x63: {  	_ = 	snop;
	(pc) =	sbr.rel @p0 .LBB2_1-.Ltmp2, $1  }
0x64: {  	_ =	sdelay $0x3  }
0x65: {  	_ =	sfence.sel $0x180000  }
0x66: {  	[bflag:$0x0] =	sbarrier.arrive $0xFFFF  }
0x67: {  	p0 =	sne.s32 s2, $0x0;
	_ =	strace $0x90000047  }
0x68: {  	s0 =	sadd.s32 @!p0 $0x100000, s0;
	[bflag:$0x2] =	sbarrier.arrive $0xFFFF  }
0x69: {  	[sflag:s0] =	ssyncadd.tile.s32 @!p0 $0x1;
	_ =	shalt  }
.Lfunc_end2:
_tile_overlayer_lowered:
.L_overlay_start_2:
0x6a: {  	(tag) =	ssettag $0x2  }
0x6b: {  	s0 =	rddreg [dreg:$0x0];
	s2 =	stileid.u32  }
0x6c: {  	s1 =	rddreg [dreg:$0x1];
	p0 =	sne.s32 s2, $0x0  }
0x6d: {  	s3 =	rddreg [dreg:$0x2];
	[bflag:$0x3] =	sbarrier.arrive $0xFFFF;
	s2 =	simm.s32 @!p0 $0x1C01  }
0x6e: {  	[timem:s3], [sflag:s2] =	dma.local @!p0 [hbm:s0], s1  }
0x6f: {  	s0 =	simm.s32 @!p0 $0x1  }
0x70: {  	_ =	swait.ge @!p0 [sflag:s0], s1  }
0x71: {  	s1 =	ssub.s32 @!p0 $0x0, s1;
	[sflag:s0] =	ssyncset.done @!p0 $0x0  }
0x72: {  	[sflag:s0] =	ssyncadd.s32 @!p0 s1  }
0x73: {  	[bflag:$0x3] =	sbarrier.arrive $0xFFFF  }
0x74: {  	_ =	shalt  }

</sc_bundles>
